<compile_context>
chip_gen: v7x
topology: tpu7x:2x2x1
jax: 0.10.2.dev20260603
libtpu: 0.0.44.dev20260713+nightly
codegen_flags: <defaults>
</compile_context>

<pallas_src>
import numpy as np
import jax
import jax.numpy as jnp
from jax.experimental import pallas as pl
from jax.experimental.pallas import tpu as pltpu

_RB = 128
_CK = 256
_NCK = 8192 // _CK


def _scan_block(x_ref, u_ref, v_ref, o_ref):
    x3 = x_ref[...]
    x2 = x3.reshape(_RB * _NCK, _CK)
    excl = jnp.dot(x2.astype(jnp.bfloat16), u_ref[...],
                   preferred_element_type=jnp.float32)
    chunk_tot = jnp.sum(x3, axis=2)
    offs = jnp.dot(chunk_tot, v_ref[...],
                   preferred_element_type=jnp.float32,
                   precision=jax.lax.Precision.HIGHEST)
    out = excl.reshape(_RB, _NCK, _CK) + offs[:, :, None]
    o_ref[...] = out


def kernel(x):
    n_rows, n_cols = x.shape
    x3 = x.reshape(n_rows, _NCK, _CK)
    u_strict = jnp.asarray(
        np.triu(np.ones((_CK, _CK), dtype=np.float32), k=1),
        dtype=jnp.bfloat16)
    v_strict = jnp.asarray(
        np.triu(np.ones((_NCK, _NCK), dtype=np.float32), k=1))
    out = pl.pallas_call(
        _scan_block,
        grid=(n_rows // _RB,),
        in_specs=[
            pl.BlockSpec((_RB, _NCK, _CK), lambda i: (i, 0, 0)),
            pl.BlockSpec((_CK, _CK), lambda i: (0, 0)),
            pl.BlockSpec((_NCK, _NCK), lambda i: (0, 0)),
        ],
        out_specs=pl.BlockSpec((_RB, _NCK, _CK), lambda i: (i, 0, 0)),
        out_shape=jax.ShapeDtypeStruct(x3.shape, x.dtype),
        compiler_params=pltpu.CompilerParams(
            dimension_semantics=("parallel",),
        ),
    )(x3, u_strict, v_strict)
    return out.reshape(n_rows, n_cols)

# --- scband reference (transcript-rebuilt; emitter-appended) ---
"""Pipeline reference for scband-model-new-73315091743988 (READ-ONLY COPY).

The authoritative reference and input builder live on the scoring server;
editing this copy changes nothing except your own understanding.
"""

import jax, jax.numpy as jnp
import numpy as np

def setup_inputs(seed: int = 0) -> dict:
    key = jax.random.key(seed)
    x = jax.random.normal(key, (4096, 8192), dtype=jnp.float32)
    return {"x": x}

def reference(x):
    # Exclusive cumulative sum along dim=1: out[:, 0] = 0, out[:, i] = sum(x[:, :i])
    cs = jnp.cumsum(x, axis=1)
    zeros = jnp.zeros((x.shape[0], 1), dtype=x.dtype)
    out = jnp.concatenate([zeros, cs[:, :-1]], axis=1)
    return out

if __name__ == "__main__":
    import jax
    _d = setup_inputs()
    print(jax.jit(kernel)(*tuple(_d.values())))

</pallas_src>

<mosaic_0001>
module attributes {stable_mosaic.version = 14 : i64} {
  func.func @_scan_block(%arg0: i32, %arg1: memref<128x32x256xf32, #tpu.memory_space<vmem>>, %arg2: memref<256x256xbf16, #tpu.memory_space<vmem>>, %arg3: memref<32x32xf32, #tpu.memory_space<vmem>>, %arg4: memref<128x32x256xf32, #tpu.memory_space<vmem>>) attributes {dimension_semantics = [#tpu.dimension_semantics<parallel>], iteration_bounds = array<i64: 32>, scalar_prefetch = 0 : i64, scratch_operands = 0 : i64, tpu.core_type = #tpu.core_type<tc>, window_params = [{transform_indices = @transform_0, window_bounds = array<i64: 128, 32, 256>}, {pipeline_mode = #tpu.pipeline_mode<synchronous>, transform_indices = @transform_1, window_bounds = array<i64: 256, 256>}, {pipeline_mode = #tpu.pipeline_mode<synchronous>, transform_indices = @transform_2, window_bounds = array<i64: 32, 32>}, {transform_indices = @transform_3, window_bounds = array<i64: 128, 32, 256>}]} {
    %get3A = arith.constant 0 : index
    %get3A_0 = arith.constant 0 : index
    %get3A_1 = arith.constant 0 : index
    %get3A_2 = vector.load %arg1[%get3A, %get3A_0, %get3A_1] : memref<128x32x256xf32, #tpu.memory_space<vmem>>, vector<128x32x256xf32>
    %reshape3A = vector.shape_cast %get3A_2 : vector<128x32x256xf32> to vector<4096x256xf32>
    %convert_element_type3A = arith.truncf %reshape3A : vector<4096x256xf32> to vector<4096x256xbf16>
    %get3A_3 = arith.constant 0 : index
    %get3A_4 = arith.constant 0 : index
    %get3A_5 = vector.load %arg2[%get3A_3, %get3A_4] : memref<256x256xbf16, #tpu.memory_space<vmem>>, vector<256x256xbf16>
    %dot_general3A = arith.constant dense<0.000000e+00> : vector<4096x256xf32>
    %dot_general3A_6 = tpu.matmul %convert_element_type3A, %get3A_5, %dot_general3A {dimension_numbers = #tpu.dot_dimension_numbers<[1], [0], [0], [1], [0, 0, 1, 1], [], []>, transpose_lhs_hint = false} : vector<4096x256xbf16>, vector<256x256xbf16>, vector<4096x256xf32> -> vector<4096x256xf32>
    %reduce_sum3A = arith.constant dense<0.000000e+00> : vector<128x32xf32>
    %reduce_sum3A_7 = vector.multi_reduction <add>, %get3A_2, %reduce_sum3A [2] : vector<128x32x256xf32> to vector<128x32xf32>
    %get3A_8 = arith.constant 0 : index
    %get3A_9 = arith.constant 0 : index
    %get3A_10 = vector.load %arg3[%get3A_8, %get3A_9] : memref<32x32xf32, #tpu.memory_space<vmem>>, vector<32x32xf32>
    %dot_general3A_11 = arith.constant dense<0.000000e+00> : vector<128x32xf32>
    %dot_general3A_12 = tpu.matmul %reduce_sum3A_7, %get3A_10, %dot_general3A_11 {dimension_numbers = #tpu.dot_dimension_numbers<[1], [0], [0], [1], [0, 0, 1, 1], [], []>, precision = #tpu.contract_precision<fp32>, transpose_lhs_hint = false} : vector<128x32xf32>, vector<32x32xf32>, vector<128x32xf32> -> vector<128x32xf32>
    %reshape3A_13 = vector.shape_cast %dot_general3A_6 : vector<4096x256xf32> to vector<128x32x256xf32>
    %broadcast_in_dim3A = vector.shape_cast %dot_general3A_12 : vector<128x32xf32> to vector<128x32x1xf32>
    %add3A = vector.broadcast %broadcast_in_dim3A : vector<128x32x1xf32> to vector<128x32x256xf32>
    %add3A_14 = arith.addf %reshape3A_13, %add3A : vector<128x32x256xf32>
    %swap3A = arith.constant 0 : index
    %swap3A_15 = arith.constant 0 : index
    %swap3A_16 = arith.constant 0 : index
    %swap3A_17 = vector.load %arg4[%swap3A, %swap3A_15, %swap3A_16] : memref<128x32x256xf32, #tpu.memory_space<vmem>>, vector<128x32x256xf32>
    tpu.vector_store %arg4[%swap3A, %swap3A_15, %swap3A_16], %add3A_14 {strides = array<i32>} : memref<128x32x256xf32, #tpu.memory_space<vmem>>, vector<128x32x256xf32>,
    return
  }
  func.func @transform_0(%arg0: i32) -> (i32, i32, i32) {
    %c0_i32 = arith.constant 0 : i32
    %c0_i32_0 = arith.constant 0 : i32
    %c0_i32_1 = arith.constant 0 : i32
    return %arg0, %c0_i32, %c0_i32_0 : i32, i32, i32
  }
  func.func @transform_1(%arg0: i32) -> (i32, i32) {
    %c0_i32 = arith.constant 0 : i32
    %c0_i32_0 = arith.constant 0 : i32
    %c0_i32_1 = arith.constant 0 : i32
    return %c0_i32, %c0_i32_0 : i32, i32
  }
  func.func @transform_2(%arg0: i32) -> (i32, i32) {
    %c0_i32 = arith.constant 0 : i32
    %c0_i32_0 = arith.constant 0 : i32
    %c0_i32_1 = arith.constant 0 : i32
    return %c0_i32, %c0_i32_0 : i32, i32
  }
  func.func @transform_3(%arg0: i32) -> (i32, i32, i32) {
    %c0_i32 = arith.constant 0 : i32
    %c0_i32_0 = arith.constant 0 : i32
    %c0_i32_1 = arith.constant 0 : i32
    return %arg0, %c0_i32, %c0_i32_0 : i32, i32, i32
  }
}

</mosaic_0001>

<sc_bundles>
// kernel: sparse-core-data-format-call.1.cloned.1.call-start
scs
called_computation.1_lowered:
.L_overlay_start_0:
0x0: {  	s2 =	sld [smem:$0x3FD9]  }
0x1: {  	s3 =	sld [smem:$0x3FFE];
	_ =	sdelay $0x1  }
0x2: {  	s1 =	srdreg.scid  }
0x3: {  	s0 =	sand.u32 $0x1, s1  }
0x4: {  	s19 =	sshll.u32 s0, $0xA;
	s2 =	sadd.s32 s3, s2  }
0x5: {  	s2 =	sadd.s32 s2, s19  }
0x6: {  	[smem:$0x3FC7] =	sst s2  }
0x7: {  	_ = 	snop  }
0x8: {  	s2 =	sld [smem:$0x3FC9]  }
0x9: {  	s20 =	sld [smem:$0x3FD0];
	(tm) =	ssettm $0x1  }
0xa: {  	s4 =	sld [smem:$0x3FFB];
	_ =	sdelay $0x3  }
0xb: {  	_ =	strace s4  }
0xc: {  	s4 =	sld [smem:$0x3FFC];
	_ =	sdelay $0x3  }
0xd: {  	_ =	strace s4  }
0xe: {  	s4 =	sld [smem:$0x3FFD];
	_ =	sdelay $0x3  }
0xf: {  	_ =	strace s4  }
0x10: {  	_ =	strace $0x8FFFFFFF  }
0x11: {  	s21 =	sld [smem:$0x3FDB];
	_ =	sdelay $0x1  }
0x12: {  	s5 =	simm.s32 $_scs_section_size  }
0x13: {  	s6 =	simm.s32 $_size__tile_overlayer_lowered;
	s7 =	simm.s32 $_tile_overlayer_lowered  }
0x14: {  	s24 =	simm.s32 $0x1BFF;
	s23 =	sshll.u32 s7, $0x1;
	s4 =	sadd.s32 s5, s21  }
0x15: {  	s8 =	simm.s32 $0x0;
	s22 =	sshll.u32 s6, $0x1;
	s6 =	sadd.s32 s23, s4  }
0x16: {  	[timem:s8], [sflag:s24] =	dma.local [hbm:s6], s22  }
0x17: {  	_ =	swait.ge [sflag:s24], s22  }
0x18: {  	s5 =	ssub.s32 $0x0, s22;
	[sflag:s24] =	ssyncset.done $0x0  }
0x19: {  	[sflag:s24] =	ssyncadd.s32 s5;
	_ =	sdelay $0x1  }
0x1a: {  	s25 =	simm.s32 $0x1B8B  }
0x1b: {  	_ =	swait.ge [sflag:s25], $0x1  }
0x1c: {  	[sflag:s25] =	ssyncset.done $0x0  }
0x1d: {  	s26 =	simm.s32 $0x1B8E;
	[sflag:s25] =	ssyncadd.s32 $0xFFFFFFFF  }
0x1e: {  	s27 =	simm.s32 $execute0_lowered;
	[smem:$0x3FD2] =	sst s26  }
0x1f: {  	s5 =	sshll.u32 s27, $0x1;
	_ =	strace $0x80000046;
	[dreg:$0x1] =	wrdreg $0xFFFFFFFF  }
0x20: {  	s28 =	simm.s32 $_size_execute0_lowered;
	s4 =	sadd.s32 s4, s5;
	[dreg:$0x0] =	wrdreg $0x0  }
0x21: {  	s5 =	sshll.u32 s28, $0x1;
	[dreg:$0x2] =	wrdreg s4  }
0x22: {  	[dreg:$0x3] =	wrdreg s5  }
0x23: {  	[dreg:$0x4] =	wrdreg $0xC0  }
0x24: {  	_ =	task [dreg:s8], $0x5FFFF  }
0x25: {  	[dreg:$0x1] =	wrdreg $0xFFFFFFFF  }
0x26: {  	[dreg:$0x0] =	wrdreg $0x60  }
0x27: {  	[dreg:$0x2] =	wrdreg s2  }
0x28: {  	[dreg:$0x3] =	wrdreg s20  }
0x29: {  	[dreg:$0x4] =	wrdreg $0x9  }
0x2a: {  	_ =	task.clear_ibuf [dreg:s8], $0x5FFFF;
	_ =	strace $0x90000046  }
0x2b: {  	s29 =	simm.s32 $0x9;
	_ =	strace $0x80000048  }
0x2c: {  	_ =	swait.ge [sflag:s29], $0x1  }
0x2d: {  	[sflag:s29] =	ssyncadd.s32 $0xFFFFFFFF  }
0x2e: {  	_ =	strace $0x90000048  }
0x2f: {  	_ =	sfence  }
0x30: {  	s30 =	sld [smem:$0x0];
	_ =	sdelay $0x2  }
0x31: {  	s31 =	sshll.u32 s1, $0xD;
	s1 =	sshrl.u32 s1, $0x2  }
0x32: {  	s3 =	sand.u32 $0x4000, s31;
	s1 =	sadd.s32 s1, s30  }
0x33: {  	s0 =	sor.u32 s3, s0;
	s1 =	sshll.u32 s1, $0x11  }
0x34: {  	s0 =	sor.u32 s1, s0  }
0x35: {  	s0 =	sadd.s32 $0x8F2B, s0  }
0x36: {  	[sflag:s0] =	ssyncadd.remote.s32 $0x1  }
0x37: {  	_ =	sfence.sel $0xFFFF  }
0x38: {  	[dreg:$0x0] =	wrdreg $0xFFFFFFFF;
	(pc) =	sbr.abs _section_cstart, $3  }
0x39: {  	[dreg:$0x1] =	wrdreg $0xFFFFFFFF  }
0x3a: {  	_ =	task.clear_ibuf [dreg:s8], $0x2FFFF;
	_ =	strace $0x9FFFFFFF  }
0x3b: {  	(tm) =	ssettm $0x7FFFFFFF  }
tec
execute0_lowered:
.L_overlay_start_1:
0x0: {  	(tag) =	ssettag $0x1  }
0x1: {  	s2 =	rddreg [dreg:$0x0]  }
0x2: {  	s3 =	rddreg [dreg:$0x1]  }
0x3: {  	s0 =	rddreg [dreg:$0x2];
	_ =	strace $0x80000047;
	s4 =	srdreg.scid  }
0x4: {  	s1 =	stileid.u32;
	s6 =	simm.s32 $0x2;
	s11 =	simm.s32 $0x0  }
.Ltmp0:
0x5: {  	p0 =	por $0x0, $0x0;
	s7 =	simm.s32 $0x2000;
	(pc) =	sbr.rel .LBB1_1-.Ltmp0, $4  }
0x6: {  	s12 =	simm.s32 $0x0;
	s9 =	simm.s32 $0x0;
	s5 =	sshll.u32 s4, $0x4  }
0x7: {  	s8 =	simm.s32 $0x0;
	s4 =	simm.s32 $0x1;
	s5 =	sand.u32 $0x10, s5  }
0x8: {  	s18 =	simm.s32 $0x0;
	[sflag:s4] =	ssyncpa.u1 $0x0;
	s5 =	sor.u32 s1, s5  }
0x9: {  	[sflag:s6] =	ssyncpa.u1 $0x0;
	s6 =	simm.s32 $0x800;
	s10 =	smov.u32 s5  }
.LBB1_7:
0xa: {  	s13 =	sadd.s32 $0x8, s9  }
0xb: {  	s11 =	sadd.s32 $0x20, s10;
	s15 =	smov.u32 s10;
	p2 =	sgt.s32 s13, $0x1F  }
0xc: {  	p1 =	slt.u32 s8, $0x2;
	s15 =	smov.u32 @p2 s11  }
0xd: {  	s8 =	sadd.s32 $0x1, s8;
	s13 =	simm.s32 @p2 $0x0;
	p2 =	sgt.s32 s15, $0x1FF  }
0xe: {  	s15 =	smov.u32 @p2 s5;
	p2 =	sne.s32 s8, $0x42  }
.Ltmp1:
0xf: {  	_ = 	snop;
	(pc) =	sbr.rel @!p2 .LBB1_8-.Ltmp1, $4  }
0x10: {  	s14 =	simm.s32 @!p1 $0x2  }
0x11: {  	s12 =	smov.u32 s10;
	_ =	swait.ge @!p1 [sflag:s14], $0x4000  }
0x12: {  	p0 =	por !p0, !p0;
	s11 =	smov.u32 s9;
	[sflag:s14] =	ssyncset.done @!p1 $0x0  }
0x13: {  	s9 =	smov.u32 s13;
	[sflag:s14] =	ssyncadd.s32 @!p1 $0xFFFFC000;
	s10 =	smov.u32 s15  }
.LBB1_1:
0x14: {  	p1 =	sgt.u32 s8, $0x3F  }
0x15: {  	s13 =	sxor.u32 @!p1 $0xFFFFFFFF, s8;
	s14 =	sshll.u32 @!p1 s10, $0xD  }
0x16: {  	s15 =	sshll.u32 @!p1 s9, $0x8;
	s13 =	sshll.u32 @!p1 s13, $0xE;
	s14 =	sadd.s32 @!p1 s2, s14  }
0x17: {  	s13 =	sand.u32 @!p1 $0x4000, s13;
	s14 =	sadd.s32 @!p1 s15, s14;
	s15 =	simm.s32 @!p1 $0x0  }
0x18: {  	[tilespmem:s13], [sflag:$0x1] =	stream.linear.gather @!p1 [hbm4b:s14+s15], $0x4000, $0x38;
	[tilespmem:$0x10000] =	vst v63  }
0x19: {  	p1 =	seq.s32 s8, $0x0  }
0x1a: {  	p2 =	seq.s32 @!p1 s8, $0x41  }
0x1b: {  	p1 =	por p1, p2  }
.Ltmp2:
0x1c: {  	_ = 	snop;
	(pc) =	sbr.rel @p1 .LBB1_7-.Ltmp2, $1  }
0x1d: {  	_ =	sdelay $0x3  }
0x1e: {  	s13 =	simm.s32 $0x1  }
0x1f: {  	_ =	swait.ge [sflag:s4], $0x4000;
	s31 =	sshll.u32 s8, $0xE;
	p1 =	por $0x0, $0x0  }
0x20: {  	s19 =	simm.s32 $0x0;
	s20 =	simm.s32 $0x0;
	s13 =	simm.s32 @!p0 $0x0  }
0x21: {  	[sflag:s4] =	ssyncset.done $0x0;
	s16 =	sand.u32 $0x4000, s31;
	s13 =	sshll.u32 s13, $0x10  }
0x22: {  	[sflag:s4] =	ssyncadd.s32 $0xFFFFC000;
	s17 =	sshrl.u32 s13, $0x2;
	s13 =	sor.u32 $0x8000, s16  }
0x23: {  	s14 =	sor.u32 $0x40, s17;
	s15 =	sor.u32 $0x8410, s17;
	s17 =	sadd.s32 $0x8400, s17  }
.LBB1_3:
0x24: {  	v1 =	vld [tilespmem:s14+$0xFFFFFFD0]  }
0x25: {  	v2 =	vld [tilespmem:s14+$0x430]  }
0x26: {  	s21 =	sshll.u32 s20, $0xB;
	v4 =	vld [tilespmem:s14+$0xFFFFFFE0]  }
0x27: {  	v7 =	vld [tilespmem:s14+$0xFFFFFFF0];
	v0 =	vmov s21  }
0x28: {  	v8 =	vld [tilespmem:s14+$0x0]  }
0x29: {  	s30 =	sand.u32 $0x300, s18;
	v9 =	vld [tilespmem:s14+$0x10]  }
0x2a: {  	s22 =	sand.u32 $0x80, s18;
	v10 =	vld [tilespmem:s14+$0x20];
	s21 =	sadd.s32 s30, s16  }
0x2b: {  	v11 =	vld [tilespmem:s14+$0x30];
	s21 =	sadd.s32 s22, s21;
	s22 =	simm.s32 $0x1;
	[tilespmem:s15+$0x60] =	vst v2  }
0x2c: {  	s31 =	sshll.u32 s19, $0x2;
	s22 =	simm.s32 @!p1 $0x0;
	[tilespmem:s15+$0xFFFFFC00] =	vst v1;
	v3 =	vld.idx.msk [tilespmem:v0+s21+$0x400 ss:$0x1], $0xffff  }
0x2d: {  	v6 =	vld [tilespmem:s14+$0x3D0];
	s22 =	sshll.u32 s22, $0x9;
	[tilespmem:s15+$0xFFFFFC10] =	vst v4;
	s21 =	sand.u32 $0xFFFFFC00, s31  }
0x2e: {  	v5 =	vld [tilespmem:s14+$0x3E0];
	[tilespmem:s15+$0xFFFFFC20] =	vst v7;
	s21 =	sor.u32 s22, s21  }
0x2f: {  	[tilespmem:s15+$0xFFFFFC30] =	vst v8;
	v4 =	vld [tilespmem:s14+$0x400];
	s21 =	sshrl.u32 s21, $0x2  }
0x30: {  	[tilespmem:s15+$0xFFFFFC40] =	vst v9;
	v1 =	vld [tilespmem:s14+$0x410];
	s21 =	sadd.s32 s21, s17  }
0x31: {  	[tilespmem:s21+$0x0] =	vst v3;
	v3 =	vld [tilespmem:s14+$0x3F0]  }
0x32: {  	s25 =	simm.s32 $0x80;
	s24 =	simm.s32 $0x100;
	[tilespmem:s15+$0xFFFFFC50] =	vst v10;
	v2 =	vld [tilespmem:s14+$0x420]  }
0x33: {  	s23 =	smov.u32 s15;
	s26 =	sand.u32 $0x300, s25;
	v7 =	vld [tilespmem:s14+$0xFFFFFFC0];
	[tilespmem:s15+$0xFFFFFC60] =	vst v11;
	s22 =	sadd.s32 $0x80, s14  }
.LBB1_4:
0x34: {  	p2 =	sne.s32 s24, $0x380;
	v8 =	vld [tilespmem:s22+$0xFFFFFFD0];
	s25 =	sand.u32 $0x80, s25;
	s26 =	sadd.s32 s26, s16;
	[tilespmem:s23+$0x0] =	vst v6  }
0x35: {  	s26 =	sadd.s32 s25, s26;
	v6 =	vld [tilespmem:s22+$0x430];
	[tilespmem:s23+$0x10] =	vst v5;
	s25 =	smov.u32 s24  }
0x36: {  	v5 =	vld.idx.msk [tilespmem:v0+s26+$0x400 ss:$0x1], $0xffff;
	[tilespmem:s23+$0x20] =	vst v3  }
0x37: {  	v3 =	vld [tilespmem:s22+$0xFFFFFFE0];
	[tilespmem:s23+$0x30] =	vst v4  }
0x38: {  	v4 =	vld [tilespmem:s22+$0xFFFFFFF0];
	[tilespmem:s23+$0xFFFFFBF0] =	vst v7  }
0x39: {  	v7 =	vld [tilespmem:s22+$0x0];
	[tilespmem:s23+$0x40] =	vst v1  }
0x3a: {  	v1 =	vld [tilespmem:s22+$0x10];
	[tilespmem:s23+$0x50] =	vst v2;
	s23 =	sadd.s32 $0x800, s23  }
0x3b: {  	s21 =	sadd.s32 $0x800, s21;
	v2 =	vld [tilespmem:s22+$0x20];
	[tilespmem:s23+$0x60] =	vst v6  }
0x3c: {  	v9 =	vld [tilespmem:s22+$0x30];
	[tilespmem:s21+$0x0] =	vst v5  }
0x3d: {  	[tilespmem:s23+$0xFFFFFC00] =	vst v8;
	v6 =	vld [tilespmem:s22+$0x3D0]  }
0x3e: {  	[tilespmem:s23+$0xFFFFFC10] =	vst v3;
	v5 =	vld [tilespmem:s22+$0x3E0]  }
.Ltmp3:
0x3f: {  	[tilespmem:s23+$0xFFFFFC20] =	vst v4;
	v3 =	vld [tilespmem:s22+$0x3F0];
	(pc) =	sbr.rel @p2 .LBB1_4-.Ltmp3, $4  }
0x40: {  	[tilespmem:s23+$0xFFFFFC30] =	vst v7;
	v4 =	vld [tilespmem:s22+$0x400]  }
0x41: {  	[tilespmem:s23+$0xFFFFFC40] =	vst v1;
	v1 =	vld [tilespmem:s22+$0x410]  }
0x42: {  	[tilespmem:s23+$0xFFFFFC50] =	vst v2;
	v2 =	vld [tilespmem:s22+$0x420]  }
0x43: {  	s24 =	sadd.s32 $0x80, s24;
	s26 =	sand.u32 $0x300, s25;
	v7 =	vld [tilespmem:s22+$0xFFFFFFC0];
	[tilespmem:s23+$0xFFFFFC60] =	vst v9;
	s22 =	sadd.s32 $0x80, s22  }
0x44: {  	[tilespmem:s23+$0x0] =	vst v6  }
0x45: {  	[tilespmem:s23+$0x10] =	vst v5  }
0x46: {  	v49 =	vld [tilespmem:s22+$0x430];
	[tilespmem:s23+$0x20] =	vst v3  }
0x47: {  	v50 =	vld [tilespmem:s22+$0xFFFFFFD0];
	[tilespmem:s23+$0x30] =	vst v4  }
0x48: {  	v51 =	vld [tilespmem:s22+$0xFFFFFFE0];
	[tilespmem:s23+$0x40] =	vst v1  }
0x49: {  	v52 =	vld [tilespmem:s22+$0xFFFFFFF0];
	[tilespmem:s23+$0x50] =	vst v2  }
0x4a: {  	s31 =	sadd.s32 $0x800, s23;
	v53 =	vld [tilespmem:s22+$0x0];
	[tilespmem:s23+$0xFFFFFBF0] =	vst v7  }
0x4b: {  	v54 =	vld [tilespmem:s22+$0x10];
	[tilespmem:s31+$0x60] =	vst v49  }
0x4c: {  	v55 =	vld [tilespmem:s22+$0x20];
	[tilespmem:s31+$0xFFFFFC00] =	vst v50  }
0x4d: {  	v56 =	vld [tilespmem:s22+$0x30];
	[tilespmem:s31+$0xFFFFFC10] =	vst v51  }
0x4e: {  	v57 =	vld [tilespmem:s22+$0x3D0];
	[tilespmem:s31+$0xFFFFFC20] =	vst v52  }
0x4f: {  	v58 =	vld [tilespmem:s22+$0x3E0];
	[tilespmem:s31+$0xFFFFFC30] =	vst v53  }
0x50: {  	v59 =	vld [tilespmem:s22+$0x3F0];
	[tilespmem:s31+$0xFFFFFC40] =	vst v54  }
0x51: {  	v60 =	vld [tilespmem:s22+$0x400];
	[tilespmem:s31+$0xFFFFFC50] =	vst v55  }
0x52: {  	v61 =	vld [tilespmem:s22+$0xFFFFFFC0];
	[tilespmem:s31+$0xFFFFFC60] =	vst v56  }
0x53: {  	s24 =	sand.u32 $0x80, s25;
	s30 =	sadd.s32 s26, s16;
	v62 =	vld [tilespmem:s22+$0x410];
	[tilespmem:s31+$0x0] =	vst v57  }
0x54: {  	v63 =	vld [tilespmem:s22+$0x420];
	s20 =	sadd.s32 $0x1, s20;
	s24 =	sadd.s32 s24, s30;
	[tilespmem:s31+$0x10] =	vst v58  }
0x55: {  	p2 =	sne.s32 s20, $0x8;
	v0 =	vld.idx.msk [tilespmem:v0+s24+$0x400 ss:$0x1], $0xffff;
	[tilespmem:s31+$0x20] =	vst v59  }
.Ltmp4:
0x56: {  	[tilespmem:s31+$0x30] =	vst v60;
	(pc) =	sbr.rel @p2 .LBB1_3-.Ltmp4, $4  }
0x57: {  	[tilespmem:s31+$0xFFFFFBF0] =	vst v61  }
0x58: {  	[tilespmem:s31+$0x40] =	vst v62  }
0x59: {  	s21 =	sadd.s32 $0x800, s21;
	s14 =	sadd.s32 $0x800, s14;
	[tilespmem:s31+$0x50] =	vst v63  }
0x5a: {  	s19 =	sadd.s32 $0x80, s19;
	p1 =	por !p1, !p1;
	s15 =	sadd.s32 $0x80, s15;
	[tilespmem:s21+$0x0] =	vst v0  }
0x5b: {  	s14 =	sshll.u32 s11, $0x8;
	s31 =	sshll.u32 s11, $0x7  }
.Ltmp5:
0x5c: {  	s14 =	sand.u32 $0x1800, s14;
	s11 =	sand.u32 $0x380, s31;
	(pc) =	sbr.rel .LBB1_7-.Ltmp5, $4  }
0x5d: {  	s12 =	sshll.u32 s12, $0xD;
	s11 =	sor.u32 s11, s14  }
0x5e: {  	s12 =	sadd.s32 s3, s12;
	s11 =	sshrl.u32 s11, $0x3  }
0x5f: {  	s11 =	sadd.s32 s11, s12  }
0x60: {  	[hbm4b:s11+s6] =	stream.strided.scatter [tilespmem:s13], [sflag:$0x2], $0x4000, s7, s6, $0x38;
	[tilespmem:$0x10000] =	vst v63  }
.LBB1_8:
0x61: {  	_ =	sfence.sel $0x180000  }
0x62: {  	s2 =	simm.s32 $0x1;
	[bflag:$0x0] =	sbarrier.arrive $0xFFFF  }
0x63: {  	s31 =	simm.s32 $0x2;
	[sflag:s2] =	ssyncpa.u1 $0x1  }
0x64: {  	[sflag:s31] =	ssyncpa.u1 $0x1  }
0x65: {  	p0 =	sne.s32 s1, $0x0;
	_ =	strace $0x90000047  }
0x66: {  	s0 =	sadd.s32 @!p0 $0x100000, s0;
	[bflag:$0x2] =	sbarrier.arrive $0xFFFF  }
0x67: {  	[sflag:s0] =	ssyncadd.tile.s32 @!p0 $0x1;
	_ =	shalt  }
.Lfunc_end1:
_tile_overlayer_lowered:
.L_overlay_start_2:
0x68: {  	(tag) =	ssettag $0x2  }
0x69: {  	s0 =	rddreg [dreg:$0x0];
	s2 =	stileid.u32  }
0x6a: {  	s1 =	rddreg [dreg:$0x1];
	p0 =	sne.s32 s2, $0x0  }
0x6b: {  	s3 =	rddreg [dreg:$0x2];
	[bflag:$0x3] =	sbarrier.arrive $0xFFFF;
	s2 =	simm.s32 @!p0 $0x1C01  }
0x6c: {  	[timem:s3], [sflag:s2] =	dma.local @!p0 [hbm:s0], s1  }
0x6d: {  	s0 =	simm.s32 @!p0 $0x1  }
0x6e: {  	_ =	swait.ge @!p0 [sflag:s0], s1  }
0x6f: {  	s1 =	ssub.s32 @!p0 $0x0, s1;
	[sflag:s0] =	ssyncset.done @!p0 $0x0  }
0x70: {  	[sflag:s0] =	ssyncadd.s32 @!p0 s1  }
0x71: {  	[bflag:$0x3] =	sbarrier.arrive $0xFFFF  }
0x72: {  	_ =	shalt  }

// kernel: sparse-core-data-format-call.cloned.1.call-start
scs
called_computation_lowered:
.L_overlay_start_0:
0x0: {  	s2 =	sld [smem:$0x3FD9]  }
0x1: {  	s3 =	sld [smem:$0x3FFE];
	_ =	sdelay $0x1  }
0x2: {  	s1 =	srdreg.scid  }
0x3: {  	s0 =	sand.u32 $0x1, s1  }
0x4: {  	s18 =	sshll.u32 s0, $0xA;
	s2 =	sadd.s32 s3, s2  }
0x5: {  	s2 =	sadd.s32 s2, s18  }
0x6: {  	[smem:$0x3FC7] =	sst s2  }
0x7: {  	_ = 	snop  }
0x8: {  	s2 =	sld [smem:$0x3FD0];
	(tm) =	ssettm $0x1  }
0x9: {  	s19 =	sld [smem:$0x3FFB];
	_ =	sdelay $0x3  }
0xa: {  	_ =	strace s19  }
0xb: {  	s3 =	sld [smem:$0x3FFC];
	_ =	sdelay $0x3  }
0xc: {  	_ =	strace s3  }
0xd: {  	s3 =	sld [smem:$0x3FFD];
	_ =	sdelay $0x3  }
0xe: {  	_ =	strace s3  }
0xf: {  	_ =	strace $0x8FFFFFFF  }
0x10: {  	s20 =	sld [smem:$0x3FDB];
	_ =	sdelay $0x1  }
0x11: {  	s4 =	simm.s32 $_scs_section_size  }
0x12: {  	s5 =	simm.s32 $_size__tile_overlayer_lowered;
	s6 =	simm.s32 $_tile_overlayer_lowered  }
0x13: {  	s23 =	simm.s32 $0x1BFF;
	s22 =	sshll.u32 s6, $0x1;
	s3 =	sadd.s32 s4, s20  }
0x14: {  	s7 =	simm.s32 $0x0;
	s21 =	sshll.u32 s5, $0x1;
	s5 =	sadd.s32 s22, s3  }
0x15: {  	[timem:s7], [sflag:s23] =	dma.local [hbm:s5], s21  }
0x16: {  	_ =	swait.ge [sflag:s23], s21  }
0x17: {  	s4 =	ssub.s32 $0x0, s21;
	[sflag:s23] =	ssyncset.done $0x0  }
0x18: {  	[sflag:s23] =	ssyncadd.s32 s4;
	_ =	sdelay $0x1  }
0x19: {  	s24 =	simm.s32 $0x1B8B  }
0x1a: {  	_ =	swait.ge [sflag:s24], $0x1  }
0x1b: {  	[sflag:s24] =	ssyncset.done $0x0  }
0x1c: {  	s26 =	simm.s32 $0x1B8E;
	s25 =	sld [smem:$0x3FFE];
	[sflag:s24] =	ssyncadd.s32 $0xFFFFFFFF  }
0x1d: {  	s27 =	simm.s32 $execute0_lowered;
	[smem:$0x3FD2] =	sst s26  }
0x1e: {  	s5 =	sshll.u32 s27, $0x1;
	_ =	strace $0x80000049;
	[dreg:$0x1] =	wrdreg $0xFFFFFFFF  }
0x1f: {  	s28 =	simm.s32 $_size_execute0_lowered;
	s3 =	sadd.s32 s3, s5;
	[dreg:$0x0] =	wrdreg $0x0  }
0x20: {  	s5 =	sshll.u32 s28, $0x1;
	[dreg:$0x2] =	wrdreg s3  }
0x21: {  	[dreg:$0x3] =	wrdreg s5  }
0x22: {  	[dreg:$0x4] =	wrdreg $0xC0  }
0x23: {  	_ =	task [dreg:s7], $0x5FFFF  }
0x24: {  	[dreg:$0x1] =	wrdreg $0xFFFFFFFF  }
0x25: {  	[dreg:$0x0] =	wrdreg $0x60  }
0x26: {  	[dreg:$0x2] =	wrdreg s25  }
0x27: {  	[dreg:$0x3] =	wrdreg s2  }
0x28: {  	[dreg:$0x4] =	wrdreg $0x9  }
0x29: {  	_ =	task.clear_ibuf [dreg:s7], $0x5FFFF;
	_ =	strace $0x90000049  }
0x2a: {  	s29 =	simm.s32 $0x9;
	_ =	strace $0x8000004B  }
0x2b: {  	_ =	swait.ge [sflag:s29], $0x1  }
0x2c: {  	[sflag:s29] =	ssyncadd.s32 $0xFFFFFFFF  }
0x2d: {  	_ =	strace $0x9000004B  }
0x2e: {  	_ =	sfence  }
0x2f: {  	s30 =	sld [smem:$0x0];
	_ =	sdelay $0x2  }
0x30: {  	s31 =	sshll.u32 s1, $0xD;
	s1 =	sshrl.u32 s1, $0x2  }
0x31: {  	s3 =	sand.u32 $0x4000, s31;
	s1 =	sadd.s32 s1, s30  }
0x32: {  	s0 =	sor.u32 s3, s0;
	s1 =	sshll.u32 s1, $0x11  }
0x33: {  	s0 =	sor.u32 s1, s0  }
0x34: {  	s0 =	sadd.s32 $0x8F2B, s0  }
0x35: {  	[sflag:s0] =	ssyncadd.remote.s32 $0x1  }
0x36: {  	_ =	sfence.sel $0xFFFF  }
0x37: {  	[dreg:$0x0] =	wrdreg $0xFFFFFFFF;
	(pc) =	sbr.abs _section_cstart, $3  }
0x38: {  	[dreg:$0x1] =	wrdreg $0xFFFFFFFF  }
0x39: {  	_ =	task.clear_ibuf [dreg:s7], $0x2FFFF;
	_ =	strace $0x9FFFFFFF  }
0x3a: {  	(tm) =	ssettm $0x7FFFFFFF  }
0x3b: {  	_ =	shalt  }
tec
execute0_lowered:
.L_overlay_start_1:
0x0: {  	(tag) =	ssettag $0x1  }
0x1: {  	s1 =	rddreg [dreg:$0x0]  }
0x2: {  	s2 =	rddreg [dreg:$0x1]  }
0x3: {  	s0 =	rddreg [dreg:$0x2];
	_ =	strace $0x8000004A;
	s4 =	srdreg.scid  }
0x4: {  	s6 =	simm.s32 $0x2;
	s12 =	simm.s32 $0x0;
	p0 =	por $0x0, $0x0  }
0x5: {  	s13 =	simm.s32 $0x0;
	s15 =	simm.s32 $0x0;
	s14 =	simm.s32 $0x0  }
.Ltmp0:
0x6: {  	s8 =	simm.s32 $0x0;
	s9 =	simm.s32 $0x0;
	(pc) =	sbr.rel .LBB1_1-.Ltmp0, $4  }
0x7: {  	s10 =	simm.s32 $0x0;
	s3 =	sadd.s32 $0xC00, s1;
	s5 =	sshll.u32 s4, $0x4  }
0x8: {  	s1 =	stileid.u32;
	s4 =	simm.s32 $0x1;
	s5 =	sand.u32 $0x10, s5  }
0x9: {  	s7 =	simm.s32 $0x0;
	[sflag:s4] =	ssyncpa.u1 $0x0;
	s5 =	sor.u32 s1, s5  }
0xa: {  	[sflag:s6] =	ssyncpa.u1 $0x0;
	s6 =	simm.s32 $0x800;
	s11 =	smov.u32 s5  }
.LBB1_7:
0xb: {  	s16 =	sadd.s32 $0x80, s8  }
0xc: {  	s12 =	sadd.s32 $0x20, s9;
	s17 =	smov.u32 s9;
	p2 =	sgt.s32 s16, $0xFF  }
0xd: {  	s17 =	smov.u32 @p2 s12  }
0xe: {  	s18 =	smov.u32 s10;
	s12 =	sadd.s32 $0x4, s10;
	p3 =	sgt.s32 s17, $0x1F  }
0xf: {  	s18 =	smov.u32 @p3 s12  }
0x10: {  	s19 =	smov.u32 s11;
	s12 =	sadd.s32 $0x20, s11;
	p4 =	sgt.s32 s18, $0x7  }
0x11: {  	p1 =	slt.u32 s7, $0x2;
	s19 =	smov.u32 @p4 s12  }
0x12: {  	s7 =	sadd.s32 $0x1, s7;
	s16 =	simm.s32 @p2 $0x0;
	p2 =	sgt.s32 s19, $0x1FF  }
0x13: {  	s20 =	simm.s32 @!p1 $0x2;
	s19 =	smov.u32 @p2 s5;
	p2 =	sne.s32 s7, $0x42  }
.Ltmp1:
0x14: {  	s13 =	smov.u32 s9;
	_ =	swait.ge @!p1 [sflag:s20], $0x4000;
	(pc) =	sbr.rel @!p2 .LBB1_8-.Ltmp1, $4  }
0x15: {  	s15 =	smov.u32 s10;
	s14 =	smov.u32 s11;
	[sflag:s20] =	ssyncset.done @!p1 $0x0  }
0x16: {  	p0 =	por !p0, !p0;
	s17 =	simm.s32 @p3 $0x0;
	[sflag:s20] =	ssyncadd.s32 @!p1 $0xFFFFC000  }
0x17: {  	s9 =	smov.u32 s17;
	s18 =	simm.s32 @p4 $0x0;
	s12 =	smov.u32 s8  }
0x18: {  	s8 =	smov.u32 s16;
	s10 =	smov.u32 s18;
	s11 =	smov.u32 s19  }
.LBB1_1:
0x19: {  	p1 =	sgt.u32 s7, $0x3F  }
0x1a: {  	s16 =	sxor.u32 @!p1 $0xFFFFFFFF, s7;
	s17 =	sand.u32 @!p1 $0x78, s8;
	s18 =	sshll.u32 @!p1 s9, $0x8  }
0x1b: {  	s19 =	sshll.u32 @!p1 s8, $0x3;
	s20 =	sshll.u32 @!p1 s9, $0x7;
	s16 =	sshll.u32 @!p1 s16, $0xE  }
0x1c: {  	s18 =	sand.u32 @!p1 $0x1800, s18;
	s19 =	sand.u32 @!p1 $0x1C00, s19;
	s16 =	sand.u32 @!p1 $0x4000, s16  }
0x1d: {  	s18 =	sadd.s32 @!p1 s18, s19;
	s19 =	sand.u32 @!p1 $0x300, s20;
	s20 =	sand.u32 @!p1 $0x80, s20  }
0x1e: {  	s18 =	sor.u32 @!p1 s19, s18;
	s17 =	sor.u32 @!p1 s17, s20;
	s19 =	sshll.u32 @!p1 s11, $0xD  }
0x1f: {  	s20 =	sshll.u32 @!p1 s10, $0xA;
	s18 =	sshrl.u32 @!p1 s18, $0x3;
	s19 =	sadd.s32 @!p1 s3, s19  }
0x20: {  	s17 =	sshrl.u32 @!p1 s17, $0x3;
	s19 =	sadd.s32 @!p1 s20, s19;
	s20 =	sand.u32 @!p1 $0x7, s8  }
0x21: {  	s18 =	sand.u32 @!p1 $0x3E0, s18;
	s17 =	sadd.s32 @!p1 s17, s19;
	s19 =	sshll.u32 @!p1 s20, $0x12  }
0x22: {  	s17 =	sadd.s32 @!p1 s18, s17;
	s18 =	sor.u32 @!p1 $0x400, s19;
	s19 =	simm.s32 @!p1 $0x800  }
0x23: {  	[tilespmem:s16], [sflag:$0x1] =	stream.strided.gather @!p1 [hbm4b:s17+s18], $0x4000, s19, s18, $0x38;
	[tilespmem:$0x10000] =	vst v63  }
0x24: {  	p1 =	seq.s32 s7, $0x0  }
0x25: {  	p2 =	seq.s32 @!p1 s7, $0x41  }
0x26: {  	p1 =	por p1, p2  }
.Ltmp2:
0x27: {  	_ = 	snop;
	(pc) =	sbr.rel @p1 .LBB1_7-.Ltmp2, $1  }
0x28: {  	_ =	sdelay $0x3  }
0x29: {  	s16 =	simm.s32 $0x1;
	_ =	swait.ge [sflag:s4], $0x4000;
	s19 =	sshll.u32 s7, $0xE  }
0x2a: {  	s16 =	simm.s32 @!p0 $0x0;
	[sflag:s4] =	ssyncset.done $0x0;
	s31 =	sand.u32 $0x4000, s19  }
0x2b: {  	s19 =	simm.s32 $0x0;
	s16 =	sshll.u32 s16, $0xE;
	[sflag:s4] =	ssyncadd.s32 $0xFFFFC000  }
0x2c: {  	s17 =	sor.u32 $0x8040, s16;
	s18 =	sor.u32 $0x40, s16;
	s16 =	sor.u32 $0x8000, s31  }
.LBB1_3:
0x2d: {  	v0 =	vmov s18;
	_ =	sdelay $0x3  }
0x2e: {  	s21 =	simm.s32 $0x0  }
0x2f: {  	v6 =	vld.idx.msk [tilespmem:v0+s21+$0x30 ss:$0x1], $0xffff  }
0x30: {  	v7 =	vld.idx.msk [tilespmem:v0+s21+$0xFFFFFFC0 ss:$0x1], $0xffff  }
0x31: {  	v5 =	vld.idx.msk [tilespmem:v0+s21+$0xFFFFFFD0 ss:$0x1], $0xffff  }
0x32: {  	v4 =	vld.idx.msk [tilespmem:v0+s21+$0xFFFFFFE0 ss:$0x1], $0xffff  }
0x33: {  	v3 =	vld.idx.msk [tilespmem:v0+s21+$0xFFFFFFF0 ss:$0x1], $0xffff  }
0x34: {  	v1 =	vld.idx.msk [tilespmem:v0+s21+$0x0 ss:$0x1], $0xffff  }
0x35: {  	v2 =	vld.idx.msk [tilespmem:v0+s21+$0x10 ss:$0x1], $0xffff;
	[tilespmem:s17+$0x30] =	vst v6  }
0x36: {  	s20 =	simm.s32 $0x80;
	s22 =	simm.s32 $0x400;
	[tilespmem:s17+$0xFFFFFFC0] =	vst v7;
	v6 =	vld.idx.msk [tilespmem:v0+s21+$0x20 ss:$0x1], $0xffff;
	s21 =	smov.u32 s17  }
.LBB1_4:
0x37: {  	p1 =	sne.s32 s22, $0x3E00;
	v7 =	vld.idx.msk [tilespmem:v0+s20+$0x30 ss:$0x1], $0xffff;
	[tilespmem:s21+$0xFFFFFFD0] =	vst v5  }
0x38: {  	v8 =	vld.idx.msk [tilespmem:v0+s20+$0xFFFFFFC0 ss:$0x1], $0xffff;
	[tilespmem:s21+$0xFFFFFFE0] =	vst v4  }
0x39: {  	v5 =	vld.idx.msk [tilespmem:v0+s20+$0xFFFFFFD0 ss:$0x1], $0xffff;
	[tilespmem:s21+$0xFFFFFFF0] =	vst v3  }
.Ltmp3:
0x3a: {  	v4 =	vld.idx.msk [tilespmem:v0+s20+$0xFFFFFFE0 ss:$0x1], $0xffff;
	[tilespmem:s21+$0x0] =	vst v1;
	(pc) =	sbr.rel @p1 .LBB1_4-.Ltmp3, $4  }
0x3b: {  	v3 =	vld.idx.msk [tilespmem:v0+s20+$0xFFFFFFF0 ss:$0x1], $0xffff;
	[tilespmem:s21+$0x10] =	vst v2  }
0x3c: {  	v1 =	vld.idx.msk [tilespmem:v0+s20+$0x0 ss:$0x1], $0xffff;
	[tilespmem:s21+$0x20] =	vst v6;
	s21 =	sadd.s32 $0x200, s21  }
0x3d: {  	v2 =	vld.idx.msk [tilespmem:v0+s20+$0x10 ss:$0x1], $0xffff;
	[tilespmem:s21+$0x30] =	vst v7  }
0x3e: {  	[tilespmem:s21+$0xFFFFFFC0] =	vst v8;
	v6 =	vld.idx.msk [tilespmem:v0+s20+$0x20 ss:$0x1], $0xffff;
	s20 =	sshra.s32 s22, $0x2;
	s22 =	sadd.s32 $0x200, s22  }
0x3f: {  	_ =	sdelay $0x2  }
0x40: {  	[tilespmem:s21+$0xFFFFFFD0] =	vst v5  }
0x41: {  	v56 =	vld.idx.msk [tilespmem:v0+s20+$0x30 ss:$0x1], $0xffff;
	[tilespmem:s21+$0xFFFFFFE0] =	vst v4  }
0x42: {  	v57 =	vld.idx.msk [tilespmem:v0+s20+$0xFFFFFFC0 ss:$0x1], $0xffff;
	[tilespmem:s21+$0xFFFFFFF0] =	vst v3  }
0x43: {  	v58 =	vld.idx.msk [tilespmem:v0+s20+$0xFFFFFFD0 ss:$0x1], $0xffff;
	[tilespmem:s21+$0x0] =	vst v1  }
0x44: {  	v59 =	vld.idx.msk [tilespmem:v0+s20+$0xFFFFFFE0 ss:$0x1], $0xffff;
	[tilespmem:s21+$0x10] =	vst v2  }
0x45: {  	v60 =	vld.idx.msk [tilespmem:v0+s20+$0xFFFFFFF0 ss:$0x1], $0xffff;
	s31 =	sadd.s32 $0x200, s21;
	[tilespmem:s21+$0x20] =	vst v6  }
0x46: {  	v61 =	vld.idx.msk [tilespmem:v0+s20+$0x0 ss:$0x1], $0xffff;
	[tilespmem:s31+$0x30] =	vst v56  }
0x47: {  	v62 =	vld.idx.msk [tilespmem:v0+s20+$0x10 ss:$0x1], $0xffff;
	s19 =	sadd.s32 $0x1, s19;
	[tilespmem:s31+$0xFFFFFFC0] =	vst v57  }
0x48: {  	v63 =	vld.idx.msk [tilespmem:v0+s20+$0x20 ss:$0x1], $0xffff;
	p1 =	sne.s32 s19, $0x4;
	[tilespmem:s31+$0xFFFFFFD0] =	vst v58  }
.Ltmp4:
0x49: {  	[tilespmem:s31+$0xFFFFFFE0] =	vst v59;
	(pc) =	sbr.rel @p1 .LBB1_3-.Ltmp4, $4  }
0x4a: {  	[tilespmem:s31+$0xFFFFFFF0] =	vst v60  }
0x4b: {  	[tilespmem:s31+$0x0] =	vst v61  }
0x4c: {  	[tilespmem:s31+$0x10] =	vst v62  }
0x4d: {  	s17 =	sadd.s32 $0x80, s17;
	s18 =	sadd.s32 $0x1000, s18;
	[tilespmem:s31+$0x20] =	vst v63  }
0x4e: {  	s17 =	sshll.u32 s12, $0x3;
	s15 =	sshll.u32 s15, $0x7;
	s18 =	sand.u32 $0x78, s12  }
0x4f: {  	s14 =	sshll.u32 s14, $0xD;
	s13 =	sshll.u32 s13, $0x8;
	s15 =	sand.u32 $0x380, s15  }
.Ltmp5:
0x50: {  	s17 =	sand.u32 $0x400, s17;
	s15 =	sor.u32 s18, s15;
	(pc) =	sbr.rel .LBB1_7-.Ltmp5, $4  }
0x51: {  	s31 =	sand.u32 $0x7, s12;
	s14 =	sadd.s32 s2, s14;
	s15 =	sor.u32 s17, s15  }
0x52: {  	s12 =	sshll.u32 s31, $0x12;
	s13 =	sadd.s32 s13, s14;
	s15 =	sshrl.u32 s15, $0x3  }
0x53: {  	s12 =	sor.u32 $0x200, s12;
	s13 =	sadd.s32 s15, s13  }
0x54: {  	[hbm4b:s13+s12] =	stream.strided.scatter [tilespmem:s16], [sflag:$0x2], $0x4000, s6, s12, $0x38;
	[tilespmem:$0x10000] =	vst v63  }
.LBB1_8:
0x55: {  	_ =	sfence.sel $0x180000  }
0x56: {  	s2 =	simm.s32 $0x1;
	[bflag:$0x0] =	sbarrier.arrive $0xFFFF  }
0x57: {  	s31 =	simm.s32 $0x2;
	[sflag:s2] =	ssyncpa.u1 $0x1  }
0x58: {  	[sflag:s31] =	ssyncpa.u1 $0x1  }
0x59: {  	p0 =	sne.s32 s1, $0x0;
	_ =	strace $0x9000004A  }
0x5a: {  	s0 =	sadd.s32 @!p0 $0x100000, s0;
	[bflag:$0x2] =	sbarrier.arrive $0xFFFF  }
0x5b: {  	[sflag:s0] =	ssyncadd.tile.s32 @!p0 $0x1;
	_ =	shalt  }
.Lfunc_end1:
_tile_overlayer_lowered:
.L_overlay_start_2:
0x5c: {  	(tag) =	ssettag $0x2  }
0x5d: {  	s0 =	rddreg [dreg:$0x0];
	s2 =	stileid.u32  }
0x5e: {  	s1 =	rddreg [dreg:$0x1];
	p0 =	sne.s32 s2, $0x0  }
0x5f: {  	s3 =	rddreg [dreg:$0x2];
	[bflag:$0x3] =	sbarrier.arrive $0xFFFF;
	s2 =	simm.s32 @!p0 $0x1C01  }
0x60: {  	[timem:s3], [sflag:s2] =	dma.local @!p0 [hbm:s0], s1  }
0x61: {  	s0 =	simm.s32 @!p0 $0x1  }
0x62: {  	_ =	swait.ge @!p0 [sflag:s0], s1  }
0x63: {  	s1 =	ssub.s32 @!p0 $0x0, s1;
	[sflag:s0] =	ssyncset.done @!p0 $0x0  }
0x64: {  	[sflag:s0] =	ssyncadd.s32 @!p0 s1  }
0x65: {  	[bflag:$0x3] =	sbarrier.arrive $0xFFFF  }
0x66: {  	_ =	shalt  }

</sc_bundles>
